<compile_context>
chip_gen: v7x
topology: tpu7x:2x2x1
jax: 0.10.2.dev20260603
libtpu: 0.0.44.dev20260713+nightly
codegen_flags: <defaults>
</compile_context>

<pallas_src>
import functools

import jax
import jax.numpy as jnp
from jax import lax
from jax.experimental import pallas as pl
from jax.experimental.pallas import tpu as pltpu
from jax.experimental.pallas import tpu_sc as plsc

EMBED = 64

_NC = 2
_NS = 16
_NW = _NC * _NS

_IDX_BATCH = 128
_BATCHES_PER_CHUNK = 8
_CHUNK = _IDX_BATCH * _BATCHES_PER_CHUNK


def _sc_gather(table, idx2d, n_rows):
    rows_per_w = n_rows // _NW
    chunks_per_w = rows_per_w // _CHUNK
    mesh = plsc.VectorSubcoreMesh(core_axis_name="c", subcore_axis_name="s")

    @functools.partial(
        pl.kernel,
        mesh=mesh,
        out_type=jax.ShapeDtypeStruct((n_rows, EMBED), jnp.float32),
        compiler_params=pltpu.CompilerParams(use_tc_tiling_on_sc=False),
        scratch_types=[
            pltpu.VMEM((_BATCHES_PER_CHUNK, _IDX_BATCH), jnp.int32),
            pltpu.VMEM((_CHUNK, EMBED), jnp.float32),
            pltpu.SemaphoreType.DMA,
        ],
    )
    def gather_kernel(idx_hbm, table_hbm, out_hbm, idx_v, rows_v, sem):
        wid = lax.axis_index("s") * _NC + lax.axis_index("c")
        base = wid * rows_per_w

        def chunk_body(c, carry):
            row0 = pl.multiple_of(base + c * _CHUNK, _CHUNK)
            pltpu.sync_copy(
                idx_hbm.at[
                    pl.ds(
                        pl.multiple_of(row0 // _IDX_BATCH, _BATCHES_PER_CHUNK),
                        _BATCHES_PER_CHUNK,
                    )
                ],
                idx_v,
            )
            handles = []
            for j in range(_BATCHES_PER_CHUNK):
                handles.append(
                    pltpu.async_copy(
                        table_hbm.at[idx_v.at[j]],
                        rows_v.at[pl.ds(j * _IDX_BATCH, _IDX_BATCH)],
                        sem,
                    )
                )
            for h in handles:
                h.wait()
            pltpu.sync_copy(rows_v, out_hbm.at[pl.ds(row0, _CHUNK)])
            return carry

        lax.fori_loop(0, chunks_per_w, chunk_body, 0)

    return gather_kernel(idx2d, table)


def _mlp_body(emb, W1d, b1d, msk, W2t, b2c, out):
    h = jnp.dot(emb[...], W1d[...], preferred_element_type=jnp.float32)
    h = jnp.maximum(h + b1d[...], 0.0)
    msk_ = msk[...]
    m = jnp.dot(h, msk_, preferred_element_type=jnp.float32)
    d = h - m
    v = jnp.dot(d * d, msk_, preferred_element_type=jnp.float32)
    hn = d * lax.rsqrt(v + 1e-5)
    W2t_ = W2t[...]
    b2c_ = b2c[...]
    dn = (((1,), (1,)), ((), ()))
    out[0] = lax.dot_general(W2t_, hn[:, :EMBED], dn,
                             preferred_element_type=jnp.float32) + b2c_
    out[1] = lax.dot_general(W2t_, hn[:, EMBED:], dn,
                             preferred_element_type=jnp.float32) + b2c_


def _tc_mlp(emb128, W1d, b1d, msk, W2t, b2c, n_b, n_l, blk):
    n_half = emb128.shape[0]
    nb = n_b // blk
    nl2 = n_l // 2
    vfull = pl.BlockSpec((1, 2 * EMBED), lambda i: (0, 0))
    wfull = pl.BlockSpec((2 * EMBED, 2 * EMBED), lambda i: (0, 0))
    return pl.pallas_call(
        _mlp_body,
        grid=(nl2 * nb,),
        in_specs=[
            pl.BlockSpec((blk, 2 * EMBED), lambda i: (i, 0)),
            wfull, vfull, wfull,
            pl.BlockSpec((EMBED, EMBED), lambda i: (0, 0)),
            pl.BlockSpec((EMBED, 1), lambda i: (0, 0)),
        ],
        out_specs=pl.BlockSpec(
            (2, EMBED, blk), lambda i: (0, i // nb, i % nb)),
        out_shape=jax.ShapeDtypeStruct((2, nl2 * EMBED, n_b), jnp.float32),
    )(emb128, W1d, b1d, msk, W2t, b2c)


def _dup_diag(W):
    z = jnp.zeros_like(W)
    return jnp.concatenate(
        [jnp.concatenate([W, z], axis=1), jnp.concatenate([z, W], axis=1)],
        axis=0)


def kernel(x, table, W1, b1, gamma, beta, W2, b2):
    B, L = x.shape
    n_rows = B * L
    idx_seq = x.astype(jnp.int32).T.reshape(2, n_rows // 2)
    idx2d = idx_seq.T.reshape(n_rows // _IDX_BATCH, _IDX_BATCH)
    emb = _sc_gather(table, idx2d, n_rows)
    emb128 = emb.reshape(n_rows // 2, 2 * EMBED)
    dup = lambda v: jnp.tile(v.reshape(1, EMBED), (1, 2))
    msk = _dup_diag(jnp.full((EMBED, EMBED), 1.0 / EMBED, jnp.float32))
    out4 = _tc_mlp(
        emb128,
        _dup_diag(W1),
        dup(b1),
        msk,
        (W2 * gamma[:, None]).T,
        (beta @ W2 + b2).reshape(EMBED, 1),
        n_b=B,
        n_l=L,
        blk=8192,
    )
    out3 = out4.reshape(L, EMBED, B)
    return out3.transpose(2, 0, 1)

# --- scband reference (transcript-rebuilt; emitter-appended) ---
"""Pipeline reference for scband-pretrained-embeddings-89094801588985 (READ-ONLY COPY).

The authoritative reference and input builder live on the scoring server;
editing this copy changes nothing except your own understanding.
"""

import jax, jax.numpy as jnp
import numpy as np

VOCAB = 1000000
EMBED = 64
HID = 64
OUT = 64
B = 16384
L = 50


def setup_inputs(seed: int = 0) -> dict:
    key = jax.random.key(seed)
    ks = jax.random.split(key, 8)
    x = jax.random.randint(ks[0], (B, L), 0, VOCAB, dtype=jnp.int64 if jax.config.jax_enable_x64 else jnp.int32)
    table = jax.random.normal(ks[1], (VOCAB, EMBED), dtype=jnp.float32) * 0.02
    W1 = jax.random.normal(ks[2], (EMBED, HID), dtype=jnp.float32) * 0.05
    b1 = jnp.zeros((HID,), dtype=jnp.float32)
    gamma = jnp.ones((HID,), dtype=jnp.float32)
    beta = jnp.zeros((HID,), dtype=jnp.float32)
    W2 = jax.random.normal(ks[3], (HID, OUT), dtype=jnp.float32) * 0.05
    b2 = jnp.zeros((OUT,), dtype=jnp.float32)
    return {"x": x, "table": table, "W1": W1, "b1": b1, "gamma": gamma, "beta": beta, "W2": W2, "b2": b2}


def reference(x, table, W1, b1, gamma, beta, W2, b2):
    # nn.Embedding lookup (frozen pretrained table)
    emb = jnp.take(table, x, axis=0)  # [B, L, EMBED]
    # MLP layer 1: Linear -> ReLU -> LayerNorm -> Dropout(eval = identity)
    h = emb @ W1 + b1
    h = jax.nn.relu(h)
    mean = jnp.mean(h, axis=-1, keepdims=True)
    var = jnp.var(h, axis=-1, keepdims=True)
    h = (h - mean) / jnp.sqrt(var + 1e-5) * gamma + beta
    # MLP layer 2 (final Linear)
    out = h @ W2 + b2
    return out

if __name__ == "__main__":
    import jax
    _d = setup_inputs()
    print(jax.jit(kernel)(*tuple(_d.values())))

</pallas_src>

<mosaic_0001>
#map = affine_map<(d0, d1) -> (0, 0)>
module attributes {stable_mosaic.version = 14 : i64} {
  func.func @gather_kernel(%arg0: i32, %arg1: i32, %arg2: memref<6400x128xi32, #tpu.memory_space<hbm>>, %arg3: memref<1000000x64xf32, #tpu.memory_space<hbm>>, %arg4: memref<819200x64xf32, #tpu.memory_space<hbm>>, %arg5: memref<8x128xi32, #tpu.memory_space<vmem>>, %arg6: memref<1024x64xf32, #tpu.memory_space<vmem>>, %arg7: memref<!tpu.dma_semaphore, #tpu.memory_space<semaphore_mem>>) attributes {dimension_semantics = [#tpu.dimension_semantics<core_parallel>, #tpu.dimension_semantics<subcore_parallel>], iteration_bounds = array<i64: 2, 16>, scalar_prefetch = 0 : i64, scratch_operands = 3 : i64, tpu.core_type = #tpu.core_type<sc_vector_subcore>, window_params = [{transform_indices = #map}, {transform_indices = #map}, {transform_indices = #map}]} {
    %mul3A = arith.constant 2 : i32
    %mul3A_0 = arith.muli %arg1, %mul3A : i32
    %add3A = arith.addi %mul3A_0, %arg0 : i32
    %mul3A_1 = arith.constant 25600 : i32
    %mul3A_2 = arith.muli %add3A, %mul3A_1 : i32
    %scan3A = arith.constant 0 : i32
    %scan3A_3 = arith.constant 0 : i32
    %scan3A_4 = arith.constant 25 : i32
    %scan3A_5 = arith.addi %scan3A_3, %scan3A_4 : i32
    %scan3A_6 = arith.constant 1 : i32
    scf.for %scan3A_8 = %scan3A_3 to %scan3A_5 step %scan3A_6  : i32 {
      %mul3A_9 = arith.constant 1024 : i32
      %mul3A_10 = arith.muli %scan3A_8, %mul3A_9 : i32
      %add3A_11 = arith.addi %mul3A_2, %mul3A_10 : i32
      %multiple_of3A = tpu.assume_multiple %add3A_11, 1024 : i32
      %jit3A = arith.constant 128 : i32
      %div3A = arith.divsi %multiple_of3A, %jit3A : i32
      %sign3A = arith.constant 0 : i32
      %sign3A_12 = arith.cmpi sgt, %multiple_of3A, %sign3A : i32
      %sign3A_13 = arith.extui %sign3A_12 : i1 to i32
      %sign3A_14 = arith.constant 0 : i32
      %sign3A_15 = arith.cmpi slt, %multiple_of3A, %sign3A_14 : i32
      %sign3A_16 = arith.extui %sign3A_15 : i1 to i32
      %sign3A_17 = arith.subi %sign3A_13, %sign3A_16 : i32
      %sign3A_18 = arith.constant 0 : i32
      %sign3A_19 = arith.cmpi sgt, %jit3A, %sign3A_18 : i32
      %sign3A_20 = arith.extui %sign3A_19 : i1 to i32
      %sign3A_21 = arith.constant 0 : i32
      %sign3A_22 = arith.cmpi slt, %jit3A, %sign3A_21 : i32
      %sign3A_23 = arith.extui %sign3A_22 : i1 to i32
      %sign3A_24 = arith.subi %sign3A_20, %sign3A_23 : i32
      %ne3A = arith.cmpi ne, %sign3A_17, %sign3A_24 : i32
      %rem3A = arith.remsi %multiple_of3A, %jit3A : i32
      %ne3A_25 = arith.constant 0 : i32
      %ne3A_26 = arith.cmpi ne, %rem3A, %ne3A_25 : i32
      %and3A = arith.andi %ne3A, %ne3A_26 : i1
      %sub3A = arith.constant 1 : i32
      %sub3A_27 = arith.subi %div3A, %sub3A : i32
      %select_n3A = arith.select %and3A, %sub3A_27, %div3A : i32
      %multiple_of3A_28 = tpu.assume_multiple %select_n3A, 8 : i32
      "tpu.region"() ({
        %run_scoped3A = tpu.sem_alloc : memref<!tpu.dma_semaphore, #tpu.memory_space<semaphore_mem>>
        %dma_start3A_187 = arith.constant 0 : i32
        %dma_start3A_188 = tpu.memref_slice %arg2[%multiple_of3A_28, %dma_start3A_187] : memref<6400x128xi32, #tpu.memory_space<hbm>> -> memref<8x128xi32, #tpu.memory_space<hbm>>
        %dma_start3A_189 = arith.constant 0 : i32
        %dma_start3A_190 = tpu.memref_slice %arg2[%multiple_of3A_28, %dma_start3A_189] : memref<6400x128xi32, #tpu.memory_space<hbm>> -> memref<8x128xi32, #tpu.memory_space<hbm>>
        tpu.enqueue_dma source(%dma_start3A_190 : memref<8x128xi32, #tpu.memory_space<hbm>>) target(%arg5 : memref<8x128xi32, #tpu.memory_space<vmem>>) target_semaphore(%run_scoped3A : memref<!tpu.dma_semaphore, #tpu.memory_space<semaphore_mem>>)
        %dma_wait3A_191 = arith.constant 0 : i32
        %dma_wait3A_192 = tpu.memref_slice %arg2[%multiple_of3A_28, %dma_wait3A_191] : memref<6400x128xi32, #tpu.memory_space<hbm>> -> memref<8x128xi32, #tpu.memory_space<hbm>>
        %dma_wait3A_193 = arith.constant 0 : i32
        %dma_wait3A_194 = tpu.memref_slice %arg2[%multiple_of3A_28, %dma_wait3A_193] : memref<6400x128xi32, #tpu.memory_space<hbm>> -> memref<8x128xi32, #tpu.memory_space<hbm>>
        tpu.wait_dma2 semaphore(%run_scoped3A : memref<!tpu.dma_semaphore, #tpu.memory_space<semaphore_mem>>) src(%dma_wait3A_194 : memref<8x128xi32, #tpu.memory_space<hbm>>) dst(%arg5 : memref<8x128xi32, #tpu.memory_space<vmem>>)
        tpu.yield
      }) : () -> ()
      %dma_start3A = arith.constant 0 : i32
      %dma_start3A_29 = arith.constant 0 : i32
      %dma_start3A_30 = arith.constant 0 : i32
      %dma_start3A_31 = tpu.memref_slice %arg6[%dma_start3A_29, %dma_start3A_30] : memref<1024x64xf32, #tpu.memory_space<vmem>> -> memref<128x64xf32, #tpu.memory_space<vmem>>
      %dma_start3A_32 = arith.constant 0 : i32
      %dma_start3A_33 = tpu.memref_slice %arg5[%dma_start3A, %dma_start3A_32] : memref<8x128xi32, #tpu.memory_space<vmem>> -> memref<1x128xi32, #tpu.memory_space<vmem>>
      %dma_start3A_34 = tpu.memref_squeeze %dma_start3A_33 : memref<1x128xi32, #tpu.memory_space<vmem>> -> memref<128xi32, #tpu.memory_space<vmem>>
      %dma_start3A_35 = arith.constant 0 : i32
      %dma_start3A_36 = arith.constant 0 : i32
      %dma_start3A_37 = tpu.memref_slice %arg3[%dma_start3A_35, %dma_start3A_36] : memref<1000000x64xf32, #tpu.memory_space<hbm>> -> memref<1000000x64xf32, #tpu.memory_space<hbm>>
      tpu.enqueue_indirect_dma source(%dma_start3A_37 : memref<1000000x64xf32, #tpu.memory_space<hbm>>) target(%dma_start3A_31 : memref<128x64xf32, #tpu.memory_space<vmem>>) offsets(%dma_start3A_34 : memref<128xi32, #tpu.memory_space<vmem>>) semaphore(%arg7 : memref<!tpu.dma_semaphore, #tpu.memory_space<semaphore_mem>>)
      %dma_start3A_38 = arith.constant 1 : i32
      %dma_start3A_39 = arith.constant 128 : i32
      %dma_start3A_40 = arith.constant 0 : i32
      %dma_start3A_41 = tpu.memref_slice %arg6[%dma_start3A_39, %dma_start3A_40] : memref<1024x64xf32, #tpu.memory_space<vmem>> -> memref<128x64xf32, #tpu.memory_space<vmem>>
      %dma_start3A_42 = arith.constant 0 : i32
      %dma_start3A_43 = tpu.memref_slice %arg5[%dma_start3A_38, %dma_start3A_42] : memref<8x128xi32, #tpu.memory_space<vmem>> -> memref<1x128xi32, #tpu.memory_space<vmem>>
      %dma_start3A_44 = tpu.memref_squeeze %dma_start3A_43 : memref<1x128xi32, #tpu.memory_space<vmem>> -> memref<128xi32, #tpu.memory_space<vmem>>
      %dma_start3A_45 = arith.constant 0 : i32
      %dma_start3A_46 = arith.constant 0 : i32
      %dma_start3A_47 = tpu.memref_slice %arg3[%dma_start3A_45, %dma_start3A_46] : memref<1000000x64xf32, #tpu.memory_space<hbm>> -> memref<1000000x64xf32, #tpu.memory_space<hbm>>
      tpu.enqueue_indirect_dma source(%dma_start3A_47 : memref<1000000x64xf32, #tpu.memory_space<hbm>>) target(%dma_start3A_41 : memref<128x64xf32, #tpu.memory_space<vmem>>) offsets(%dma_start3A_44 : memref<128xi32, #tpu.memory_space<vmem>>) semaphore(%arg7 : memref<!tpu.dma_semaphore, #tpu.memory_space<semaphore_mem>>)
      %dma_start3A_48 = arith.constant 2 : i32
      %dma_start3A_49 = arith.constant 256 : i32
      %dma_start3A_50 = arith.constant 0 : i32
      %dma_start3A_51 = tpu.memref_slice %arg6[%dma_start3A_49, %dma_start3A_50] : memref<1024x64xf32, #tpu.memory_space<vmem>> -> memref<128x64xf32, #tpu.memory_space<vmem>>
      %dma_start3A_52 = arith.constant 0 : i32
      %dma_start3A_53 = tpu.memref_slice %arg5[%dma_start3A_48, %dma_start3A_52] : memref<8x128xi32, #tpu.memory_space<vmem>> -> memref<1x128xi32, #tpu.memory_space<vmem>>
      %dma_start3A_54 = tpu.memref_squeeze %dma_start3A_53 : memref<1x128xi32, #tpu.memory_space<vmem>> -> memref<128xi32, #tpu.memory_space<vmem>>
      %dma_start3A_55 = arith.constant 0 : i32
      %dma_start3A_56 = arith.constant 0 : i32
      %dma_start3A_57 = tpu.memref_slice %arg3[%dma_start3A_55, %dma_start3A_56] : memref<1000000x64xf32, #tpu.memory_space<hbm>> -> memref<1000000x64xf32, #tpu.memory_space<hbm>>
      tpu.enqueue_indirect_dma source(%dma_start3A_57 : memref<1000000x64xf32, #tpu.memory_space<hbm>>) target(%dma_start3A_51 : memref<128x64xf32, #tpu.memory_space<vmem>>) offsets(%dma_start3A_54 : memref<128xi32, #tpu.memory_space<vmem>>) semaphore(%arg7 : memref<!tpu.dma_semaphore, #tpu.memory_space<semaphore_mem>>)
      %dma_start3A_58 = arith.constant 3 : i32
      %dma_start3A_59 = arith.constant 384 : i32
      %dma_start3A_60 = arith.constant 0 : i32
      %dma_start3A_61 = tpu.memref_slice %arg6[%dma_start3A_59, %dma_start3A_60] : memref<1024x64xf32, #tpu.memory_space<vmem>> -> memref<128x64xf32, #tpu.memory_space<vmem>>
      %dma_start3A_62 = arith.constant 0 : i32
      %dma_start3A_63 = tpu.memref_slice %arg5[%dma_start3A_58, %dma_start3A_62] : memref<8x128xi32, #tpu.memory_space<vmem>> -> memref<1x128xi32, #tpu.memory_space<vmem>>
      %dma_start3A_64 = tpu.memref_squeeze %dma_start3A_63 : memref<1x128xi32, #tpu.memory_space<vmem>> -> memref<128xi32, #tpu.memory_space<vmem>>
      %dma_start3A_65 = arith.constant 0 : i32
      %dma_start3A_66 = arith.constant 0 : i32
      %dma_start3A_67 = tpu.memref_slice %arg3[%dma_start3A_65, %dma_start3A_66] : memref<1000000x64xf32, #tpu.memory_space<hbm>> -> memref<1000000x64xf32, #tpu.memory_space<hbm>>
      tpu.enqueue_indirect_dma source(%dma_start3A_67 : memref<1000000x64xf32, #tpu.memory_space<hbm>>) target(%dma_start3A_61 : memref<128x64xf32, #tpu.memory_space<vmem>>) offsets(%dma_start3A_64 : memref<128xi32, #tpu.memory_space<vmem>>) semaphore(%arg7 : memref<!tpu.dma_semaphore, #tpu.memory_space<semaphore_mem>>)
      %dma_start3A_68 = arith.constant 4 : i32
      %dma_start3A_69 = arith.constant 512 : i32
      %dma_start3A_70 = arith.constant 0 : i32
      %dma_start3A_71 = tpu.memref_slice %arg6[%dma_start3A_69, %dma_start3A_70] : memref<1024x64xf32, #tpu.memory_space<vmem>> -> memref<128x64xf32, #tpu.memory_space<vmem>>
      %dma_start3A_72 = arith.constant 0 : i32
      %dma_start3A_73 = tpu.memref_slice %arg5[%dma_start3A_68, %dma_start3A_72] : memref<8x128xi32, #tpu.memory_space<vmem>> -> memref<1x128xi32, #tpu.memory_space<vmem>>
      %dma_start3A_74 = tpu.memref_squeeze %dma_start3A_73 : memref<1x128xi32, #tpu.memory_space<vmem>> -> memref<128xi32, #tpu.memory_space<vmem>>
      %dma_start3A_75 = arith.constant 0 : i32
      %dma_start3A_76 = arith.constant 0 : i32
      %dma_start3A_77 = tpu.memref_slice %arg3[%dma_start3A_75, %dma_start3A_76] : memref<1000000x64xf32, #tpu.memory_space<hbm>> -> memref<1000000x64xf32, #tpu.memory_space<hbm>>
      tpu.enqueue_indirect_dma source(%dma_start3A_77 : memref<1000000x64xf32, #tpu.memory_space<hbm>>) target(%dma_start3A_71 : memref<128x64xf32, #tpu.memory_space<vmem>>) offsets(%dma_start3A_74 : memref<128xi32, #tpu.memory_space<vmem>>) semaphore(%arg7 : memref<!tpu.dma_semaphore, #tpu.memory_space<semaphore_mem>>)
      %dma_start3A_78 = arith.constant 5 : i32
      %dma_start3A_79 = arith.constant 640 : i32
      %dma_start3A_80 = arith.constant 0 : i32
      %dma_start3A_81 = tpu.memref_slice %arg6[%dma_start3A_79, %dma_start3A_80] : memref<1024x64xf32, #tpu.memory_space<vmem>> -> memref<128x64xf32, #tpu.memory_space<vmem>>
      %dma_start3A_82 = arith.constant 0 : i32
      %dma_start3A_83 = tpu.memref_slice %arg5[%dma_start3A_78, %dma_start3A_82] : memref<8x128xi32, #tpu.memory_space<vmem>> -> memref<1x128xi32, #tpu.memory_space<vmem>>
      %dma_start3A_84 = tpu.memref_squeeze %dma_start3A_83 : memref<1x128xi32, #tpu.memory_space<vmem>> -> memref<128xi32, #tpu.memory_space<vmem>>
      %dma_start3A_85 = arith.constant 0 : i32
      %dma_start3A_86 = arith.constant 0 : i32
      %dma_start3A_87 = tpu.memref_slice %arg3[%dma_start3A_85, %dma_start3A_86] : memref<1000000x64xf32, #tpu.memory_space<hbm>> -> memref<1000000x64xf32, #tpu.memory_space<hbm>>
      tpu.enqueue_indirect_dma source(%dma_start3A_87 : memref<1000000x64xf32, #tpu.memory_space<hbm>>) target(%dma_start3A_81 : memref<128x64xf32, #tpu.memory_space<vmem>>) offsets(%dma_start3A_84 : memref<128xi32, #tpu.memory_space<vmem>>) semaphore(%arg7 : memref<!tpu.dma_semaphore, #tpu.memory_space<semaphore_mem>>)
      %dma_start3A_88 = arith.constant 6 : i32
      %dma_start3A_89 = arith.constant 768 : i32
      %dma_start3A_90 = arith.constant 0 : i32
      %dma_start3A_91 = tpu.memref_slice %arg6[%dma_start3A_89, %dma_start3A_90] : memref<1024x64xf32, #tpu.memory_space<vmem>> -> memref<128x64xf32, #tpu.memory_space<vmem>>
      %dma_start3A_92 = arith.constant 0 : i32
      %dma_start3A_93 = tpu.memref_slice %arg5[%dma_start3A_88, %dma_start3A_92] : memref<8x128xi32, #tpu.memory_space<vmem>> -> memref<1x128xi32, #tpu.memory_space<vmem>>
      %dma_start3A_94 = tpu.memref_squeeze %dma_start3A_93 : memref<1x128xi32, #tpu.memory_space<vmem>> -> memref<128xi32, #tpu.memory_space<vmem>>
      %dma_start3A_95 = arith.constant 0 : i32
      %dma_start3A_96 = arith.constant 0 : i32
      %dma_start3A_97 = tpu.memref_slice %arg3[%dma_start3A_95, %dma_start3A_96] : memref<1000000x64xf32, #tpu.memory_space<hbm>> -> memref<1000000x64xf32, #tpu.memory_space<hbm>>
      tpu.enqueue_indirect_dma source(%dma_start3A_97 : memref<1000000x64xf32, #tpu.memory_space<hbm>>) target(%dma_start3A_91 : memref<128x64xf32, #tpu.memory_space<vmem>>) offsets(%dma_start3A_94 : memref<128xi32, #tpu.memory_space<vmem>>) semaphore(%arg7 : memref<!tpu.dma_semaphore, #tpu.memory_space<semaphore_mem>>)
      %dma_start3A_98 = arith.constant 7 : i32
      %dma_start3A_99 = arith.constant 896 : i32
      %dma_start3A_100 = arith.constant 0 : i32
      %dma_start3A_101 = tpu.memref_slice %arg6[%dma_start3A_99, %dma_start3A_100] : memref<1024x64xf32, #tpu.memory_space<vmem>> -> memref<128x64xf32, #tpu.memory_space<vmem>>
      %dma_start3A_102 = arith.constant 0 : i32
      %dma_start3A_103 = tpu.memref_slice %arg5[%dma_start3A_98, %dma_start3A_102] : memref<8x128xi32, #tpu.memory_space<vmem>> -> memref<1x128xi32, #tpu.memory_space<vmem>>
      %dma_start3A_104 = tpu.memref_squeeze %dma_start3A_103 : memref<1x128xi32, #tpu.memory_space<vmem>> -> memref<128xi32, #tpu.memory_space<vmem>>
      %dma_start3A_105 = arith.constant 0 : i32
      %dma_start3A_106 = arith.constant 0 : i32
      %dma_start3A_107 = tpu.memref_slice %arg3[%dma_start3A_105, %dma_start3A_106] : memref<1000000x64xf32, #tpu.memory_space<hbm>> -> memref<1000000x64xf32, #tpu.memory_space<hbm>>
      tpu.enqueue_indirect_dma source(%dma_start3A_107 : memref<1000000x64xf32, #tpu.memory_space<hbm>>) target(%dma_start3A_101 : memref<128x64xf32, #tpu.memory_space<vmem>>) offsets(%dma_start3A_104 : memref<128xi32, #tpu.memory_space<vmem>>) semaphore(%arg7 : memref<!tpu.dma_semaphore, #tpu.memory_space<semaphore_mem>>)
      %dma_wait3A = arith.constant 0 : i32
      %dma_wait3A_108 = arith.constant 0 : i32
      %dma_wait3A_109 = arith.constant 0 : i32
      %dma_wait3A_110 = tpu.memref_slice %arg6[%dma_wait3A_108, %dma_wait3A_109] : memref<1024x64xf32, #tpu.memory_space<vmem>> -> memref<128x64xf32, #tpu.memory_space<vmem>>
      %dma_wait3A_111 = arith.constant 0 : i32
      %dma_wait3A_112 = tpu.memref_slice %arg5[%dma_wait3A, %dma_wait3A_111] : memref<8x128xi32, #tpu.memory_space<vmem>> -> memref<1x128xi32, #tpu.memory_space<vmem>>
      %dma_wait3A_113 = tpu.memref_squeeze %dma_wait3A_112 : memref<1x128xi32, #tpu.memory_space<vmem>> -> memref<128xi32, #tpu.memory_space<vmem>>
      %dma_wait3A_114 = arith.constant 0 : i32
      %dma_wait3A_115 = arith.constant 0 : i32
      %dma_wait3A_116 = tpu.memref_slice %arg3[%dma_wait3A_114, %dma_wait3A_115] : memref<1000000x64xf32, #tpu.memory_space<hbm>> -> memref<1000000x64xf32, #tpu.memory_space<hbm>>
      tpu.wait_indirect_dma semaphore(%arg7 : memref<!tpu.dma_semaphore, #tpu.memory_space<semaphore_mem>>) src(%dma_wait3A_116 : memref<1000000x64xf32, #tpu.memory_space<hbm>>) dst(%dma_wait3A_110 : memref<128x64xf32, #tpu.memory_space<vmem>>)
      %dma_wait3A_117 = arith.constant 1 : i32
      %dma_wait3A_118 = arith.constant 128 : i32
      %dma_wait3A_119 = arith.constant 0 : i32
      %dma_wait3A_120 = tpu.memref_slice %arg6[%dma_wait3A_118, %dma_wait3A_119] : memref<1024x64xf32, #tpu.memory_space<vmem>> -> memref<128x64xf32, #tpu.memory_space<vmem>>
      %dma_wait3A_121 = arith.constant 0 : i32
      %dma_wait3A_122 = tpu.memref_slice %arg5[%dma_wait3A_117, %dma_wait3A_121] : memref<8x128xi32, #tpu.memory_space<vmem>> -> memref<1x128xi32, #tpu.memory_space<vmem>>
      %dma_wait3A_123 = tpu.memref_squeeze %dma_wait3A_122 : memref<1x128xi32, #tpu.memory_space<vmem>> -> memref<128xi32, #tpu.memory_space<vmem>>
      %dma_wait3A_124 = arith.constant 0 : i32
      %dma_wait3A_125 = arith.constant 0 : i32
      %dma_wait3A_126 = tpu.memref_slice %arg3[%dma_wait3A_124, %dma_wait3A_125] : memref<1000000x64xf32, #tpu.memory_space<hbm>> -> memref<1000000x64xf32, #tpu.memory_space<hbm>>
      tpu.wait_indirect_dma semaphore(%arg7 : memref<!tpu.dma_semaphore, #tpu.memory_space<semaphore_mem>>) src(%dma_wait3A_126 : memref<1000000x64xf32, #tpu.memory_space<hbm>>) dst(%dma_wait3A_120 : memref<128x64xf32, #tpu.memory_space<vmem>>)
      %dma_wait3A_127 = arith.constant 2 : i32
      %dma_wait3A_128 = arith.constant 256 : i32
      %dma_wait3A_129 = arith.constant 0 : i32
      %dma_wait3A_130 = tpu.memref_slice %arg6[%dma_wait3A_128, %dma_wait3A_129] : memref<1024x64xf32, #tpu.memory_space<vmem>> -> memref<128x64xf32, #tpu.memory_space<vmem>>
      %dma_wait3A_131 = arith.constant 0 : i32
      %dma_wait3A_132 = tpu.memref_slice %arg5[%dma_wait3A_127, %dma_wait3A_131] : memref<8x128xi32, #tpu.memory_space<vmem>> -> memref<1x128xi32, #tpu.memory_space<vmem>>
      %dma_wait3A_133 = tpu.memref_squeeze %dma_wait3A_132 : memref<1x128xi32, #tpu.memory_space<vmem>> -> memref<128xi32, #tpu.memory_space<vmem>>
      %dma_wait3A_134 = arith.constant 0 : i32
      %dma_wait3A_135 = arith.constant 0 : i32
      %dma_wait3A_136 = tpu.memref_slice %arg3[%dma_wait3A_134, %dma_wait3A_135] : memref<1000000x64xf32, #tpu.memory_space<hbm>> -> memref<1000000x64xf32, #tpu.memory_space<hbm>>
      tpu.wait_indirect_dma semaphore(%arg7 : memref<!tpu.dma_semaphore, #tpu.memory_space<semaphore_mem>>) src(%dma_wait3A_136 : memref<1000000x64xf32, #tpu.memory_space<hbm>>) dst(%dma_wait3A_130 : memref<128x64xf32, #tpu.memory_space<vmem>>)
      %dma_wait3A_137 = arith.constant 3 : i32
      %dma_wait3A_138 = arith.constant 384 : i32
      %dma_wait3A_139 = arith.constant 0 : i32
      %dma_wait3A_140 = tpu.memref_slice %arg6[%dma_wait3A_138, %dma_wait3A_139] : memref<1024x64xf32, #tpu.memory_space<vmem>> -> memref<128x64xf32, #tpu.memory_space<vmem>>
      %dma_wait3A_141 = arith.constant 0 : i32
      %dma_wait3A_142 = tpu.memref_slice %arg5[%dma_wait3A_137, %dma_wait3A_141] : memref<8x128xi32, #tpu.memory_space<vmem>> -> memref<1x128xi32, #tpu.memory_space<vmem>>
      %dma_wait3A_143 = tpu.memref_squeeze %dma_wait3A_142 : memref<1x128xi32, #tpu.memory_space<vmem>> -> memref<128xi32, #tpu.memory_space<vmem>>
      %dma_wait3A_144 = arith.constant 0 : i32
      %dma_wait3A_145 = arith.constant 0 : i32
      %dma_wait3A_146 = tpu.memref_slice %arg3[%dma_wait3A_144, %dma_wait3A_145] : memref<1000000x64xf32, #tpu.memory_space<hbm>> -> memref<1000000x64xf32, #tpu.memory_space<hbm>>
      tpu.wait_indirect_dma semaphore(%arg7 : memref<!tpu.dma_semaphore, #tpu.memory_space<semaphore_mem>>) src(%dma_wait3A_146 : memref<1000000x64xf32, #tpu.memory_space<hbm>>) dst(%dma_wait3A_140 : memref<128x64xf32, #tpu.memory_space<vmem>>)
      %dma_wait3A_147 = arith.constant 4 : i32
      %dma_wait3A_148 = arith.constant 512 : i32
      %dma_wait3A_149 = arith.constant 0 : i32
      %dma_wait3A_150 = tpu.memref_slice %arg6[%dma_wait3A_148, %dma_wait3A_149] : memref<1024x64xf32, #tpu.memory_space<vmem>> -> memref<128x64xf32, #tpu.memory_space<vmem>>
      %dma_wait3A_151 = arith.constant 0 : i32
      %dma_wait3A_152 = tpu.memref_slice %arg5[%dma_wait3A_147, %dma_wait3A_151] : memref<8x128xi32, #tpu.memory_space<vmem>> -> memref<1x128xi32, #tpu.memory_space<vmem>>
      %dma_wait3A_153 = tpu.memref_squeeze %dma_wait3A_152 : memref<1x128xi32, #tpu.memory_space<vmem>> -> memref<128xi32, #tpu.memory_space<vmem>>
      %dma_wait3A_154 = arith.constant 0 : i32
      %dma_wait3A_155 = arith.constant 0 : i32
      %dma_wait3A_156 = tpu.memref_slice %arg3[%dma_wait3A_154, %dma_wait3A_155] : memref<1000000x64xf32, #tpu.memory_space<hbm>> -> memref<1000000x64xf32, #tpu.memory_space<hbm>>
      tpu.wait_indirect_dma semaphore(%arg7 : memref<!tpu.dma_semaphore, #tpu.memory_space<semaphore_mem>>) src(%dma_wait3A_156 : memref<1000000x64xf32, #tpu.memory_space<hbm>>) dst(%dma_wait3A_150 : memref<128x64xf32, #tpu.memory_space<vmem>>)
      %dma_wait3A_157 = arith.constant 5 : i32
      %dma_wait3A_158 = arith.constant 640 : i32
      %dma_wait3A_159 = arith.constant 0 : i32
      %dma_wait3A_160 = tpu.memref_slice %arg6[%dma_wait3A_158, %dma_wait3A_159] : memref<1024x64xf32, #tpu.memory_space<vmem>> -> memref<128x64xf32, #tpu.memory_space<vmem>>
      %dma_wait3A_161 = arith.constant 0 : i32
      %dma_wait3A_162 = tpu.memref_slice %arg5[%dma_wait3A_157, %dma_wait3A_161] : memref<8x128xi32, #tpu.memory_space<vmem>> -> memref<1x128xi32, #tpu.memory_space<vmem>>
      %dma_wait3A_163 = tpu.memref_squeeze %dma_wait3A_162 : memref<1x128xi32, #tpu.memory_space<vmem>> -> memref<128xi32, #tpu.memory_space<vmem>>
      %dma_wait3A_164 = arith.constant 0 : i32
      %dma_wait3A_165 = arith.constant 0 : i32
      %dma_wait3A_166 = tpu.memref_slice %arg3[%dma_wait3A_164, %dma_wait3A_165] : memref<1000000x64xf32, #tpu.memory_space<hbm>> -> memref<1000000x64xf32, #tpu.memory_space<hbm>>
      tpu.wait_indirect_dma semaphore(%arg7 : memref<!tpu.dma_semaphore, #tpu.memory_space<semaphore_mem>>) src(%dma_wait3A_166 : memref<1000000x64xf32, #tpu.memory_space<hbm>>) dst(%dma_wait3A_160 : memref<128x64xf32, #tpu.memory_space<vmem>>)
      %dma_wait3A_167 = arith.constant 6 : i32
      %dma_wait3A_168 = arith.constant 768 : i32
      %dma_wait3A_169 = arith.constant 0 : i32
      %dma_wait3A_170 = tpu.memref_slice %arg6[%dma_wait3A_168, %dma_wait3A_169] : memref<1024x64xf32, #tpu.memory_space<vmem>> -> memref<128x64xf32, #tpu.memory_space<vmem>>
      %dma_wait3A_171 = arith.constant 0 : i32
      %dma_wait3A_172 = tpu.memref_slice %arg5[%dma_wait3A_167, %dma_wait3A_171] : memref<8x128xi32, #tpu.memory_space<vmem>> -> memref<1x128xi32, #tpu.memory_space<vmem>>
      %dma_wait3A_173 = tpu.memref_squeeze %dma_wait3A_172 : memref<1x128xi32, #tpu.memory_space<vmem>> -> memref<128xi32, #tpu.memory_space<vmem>>
      %dma_wait3A_174 = arith.constant 0 : i32
      %dma_wait3A_175 = arith.constant 0 : i32
      %dma_wait3A_176 = tpu.memref_slice %arg3[%dma_wait3A_174, %dma_wait3A_175] : memref<1000000x64xf32, #tpu.memory_space<hbm>> -> memref<1000000x64xf32, #tpu.memory_space<hbm>>
      tpu.wait_indirect_dma semaphore(%arg7 : memref<!tpu.dma_semaphore, #tpu.memory_space<semaphore_mem>>) src(%dma_wait3A_176 : memref<1000000x64xf32, #tpu.memory_space<hbm>>) dst(%dma_wait3A_170 : memref<128x64xf32, #tpu.memory_space<vmem>>)
      %dma_wait3A_177 = arith.constant 7 : i32
      %dma_wait3A_178 = arith.constant 896 : i32
      %dma_wait3A_179 = arith.constant 0 : i32
      %dma_wait3A_180 = tpu.memref_slice %arg6[%dma_wait3A_178, %dma_wait3A_179] : memref<1024x64xf32, #tpu.memory_space<vmem>> -> memref<128x64xf32, #tpu.memory_space<vmem>>
      %dma_wait3A_181 = arith.constant 0 : i32
      %dma_wait3A_182 = tpu.memref_slice %arg5[%dma_wait3A_177, %dma_wait3A_181] : memref<8x128xi32, #tpu.memory_space<vmem>> -> memref<1x128xi32, #tpu.memory_space<vmem>>
      %dma_wait3A_183 = tpu.memref_squeeze %dma_wait3A_182 : memref<1x128xi32, #tpu.memory_space<vmem>> -> memref<128xi32, #tpu.memory_space<vmem>>
      %dma_wait3A_184 = arith.constant 0 : i32
      %dma_wait3A_185 = arith.constant 0 : i32
      %dma_wait3A_186 = tpu.memref_slice %arg3[%dma_wait3A_184, %dma_wait3A_185] : memref<1000000x64xf32, #tpu.memory_space<hbm>> -> memref<1000000x64xf32, #tpu.memory_space<hbm>>
      tpu.wait_indirect_dma semaphore(%arg7 : memref<!tpu.dma_semaphore, #tpu.memory_space<semaphore_mem>>) src(%dma_wait3A_186 : memref<1000000x64xf32, #tpu.memory_space<hbm>>) dst(%dma_wait3A_180 : memref<128x64xf32, #tpu.memory_space<vmem>>)
      "tpu.region"() ({
        %run_scoped3A = tpu.sem_alloc : memref<!tpu.dma_semaphore, #tpu.memory_space<semaphore_mem>>
        %dma_start3A_187 = arith.constant 0 : i32
        %dma_start3A_188 = tpu.memref_slice %arg4[%multiple_of3A, %dma_start3A_187] : memref<819200x64xf32, #tpu.memory_space<hbm>> -> memref<1024x64xf32, #tpu.memory_space<hbm>>
        %dma_start3A_189 = arith.constant 0 : i32
        %dma_start3A_190 = tpu.memref_slice %arg4[%multiple_of3A, %dma_start3A_189] : memref<819200x64xf32, #tpu.memory_space<hbm>> -> memref<1024x64xf32, #tpu.memory_space<hbm>>
        tpu.enqueue_dma source(%arg6 : memref<1024x64xf32, #tpu.memory_space<vmem>>) target(%dma_start3A_190 : memref<1024x64xf32, #tpu.memory_space<hbm>>) target_semaphore(%run_scoped3A : memref<!tpu.dma_semaphore, #tpu.memory_space<semaphore_mem>>)
        %dma_wait3A_191 = arith.constant 0 : i32
        %dma_wait3A_192 = tpu.memref_slice %arg4[%multiple_of3A, %dma_wait3A_191] : memref<819200x64xf32, #tpu.memory_space<hbm>> -> memref<1024x64xf32, #tpu.memory_space<hbm>>
        %dma_wait3A_193 = arith.constant 0 : i32
        %dma_wait3A_194 = tpu.memref_slice %arg4[%multiple_of3A, %dma_wait3A_193] : memref<819200x64xf32, #tpu.memory_space<hbm>> -> memref<1024x64xf32, #tpu.memory_space<hbm>>
        tpu.wait_dma2 semaphore(%run_scoped3A : memref<!tpu.dma_semaphore, #tpu.memory_space<semaphore_mem>>) src(%arg6 : memref<1024x64xf32, #tpu.memory_space<vmem>>) dst(%dma_wait3A_194 : memref<1024x64xf32, #tpu.memory_space<hbm>>)
        tpu.yield
      }) : () -> ()
    }
    %scan3A_7 = arith.constant 25 : i32
    return
  }
}

module attributes {stable_mosaic.version = 14 : i64} {
  func.func @_mlp_body(%arg0: i32, %arg1: memref<8192x128xf32, #tpu.memory_space<vmem>>, %arg2: memref<128x128xf32, #tpu.memory_space<vmem>>, %arg3: memref<1x128xf32, #tpu.memory_space<vmem>>, %arg4: memref<128x128xf32, #tpu.memory_space<vmem>>, %arg5: memref<64x64xf32, #tpu.memory_space<vmem>>, %arg6: memref<64x1xf32, #tpu.memory_space<vmem>>, %arg7: memref<2x64x8192xf32, #tpu.memory_space<vmem>>) attributes {dimension_semantics = [#tpu.dimension_semantics<arbitrary>], iteration_bounds = array<i64: 50>, scalar_prefetch = 0 : i64, scratch_operands = 0 : i64, tpu.core_type = #tpu.core_type<tc>, window_params = [{transform_indices = @transform_0, window_bounds = array<i64: 8192, 128>}, {pipeline_mode = #tpu.pipeline_mode<synchronous>, transform_indices = @transform_1, window_bounds = array<i64: 128, 128>}, {pipeline_mode = #tpu.pipeline_mode<synchronous>, transform_indices = @transform_2, window_bounds = array<i64: 1, 128>}, {pipeline_mode = #tpu.pipeline_mode<synchronous>, transform_indices = @transform_3, window_bounds = array<i64: 128, 128>}, {pipeline_mode = #tpu.pipeline_mode<synchronous>, transform_indices = @transform_4, window_bounds = array<i64: 64, 64>}, {pipeline_mode = #tpu.pipeline_mode<synchronous>, transform_indices = @transform_5, window_bounds = array<i64: 64, 1>}, {transform_indices = @transform_6, window_bounds = array<i64: 2, 64, 8192>}]} {
    %get3A = arith.constant 0 : index
    %get3A_0 = arith.constant 0 : index
    %get3A_1 = vector.load %arg1[%get3A, %get3A_0] : memref<8192x128xf32, #tpu.memory_space<vmem>>, vector<8192x128xf32>
    %get3A_2 = arith.constant 0 : index
    %get3A_3 = arith.constant 0 : index
    %get3A_4 = vector.load %arg2[%get3A_2, %get3A_3] : memref<128x128xf32, #tpu.memory_space<vmem>>, vector<128x128xf32>
    %dot_general3A = arith.constant dense<0.000000e+00> : vector<8192x128xf32>
    %dot_general3A_5 = tpu.matmul %get3A_1, %get3A_4, %dot_general3A {dimension_numbers = #tpu.dot_dimension_numbers<[1], [0], [0], [1], [0, 0, 1, 1], [], []>, transpose_lhs_hint = false} : vector<8192x128xf32>, vector<128x128xf32>, vector<8192x128xf32> -> vector<8192x128xf32>
    %get3A_6 = arith.constant 0 : index
    %get3A_7 = arith.constant 0 : index
    %get3A_8 = vector.load %arg3[%get3A_6, %get3A_7] : memref<1x128xf32, #tpu.memory_space<vmem>>, vector<1x128xf32>
    %add3A = vector.broadcast %get3A_8 : vector<1x128xf32> to vector<8192x128xf32>
    %add3A_9 = arith.addf %dot_general3A_5, %add3A : vector<8192x128xf32>
    %max3A = arith.constant 0.000000e+00 : f32
    %max3A_10 = vector.broadcast %max3A : f32 to vector<8192x128xf32>
    %max3A_11 = arith.maximumf %add3A_9, %max3A_10 : vector<8192x128xf32>
    %get3A_12 = arith.constant 0 : index
    %get3A_13 = arith.constant 0 : index
    %get3A_14 = vector.load %arg4[%get3A_12, %get3A_13] : memref<128x128xf32, #tpu.memory_space<vmem>>, vector<128x128xf32>
    %dot_general3A_15 = arith.constant dense<0.000000e+00> : vector<8192x128xf32>
    %dot_general3A_16 = tpu.matmul %max3A_11, %get3A_14, %dot_general3A_15 {dimension_numbers = #tpu.dot_dimension_numbers<[1], [0], [0], [1], [0, 0, 1, 1], [], []>, transpose_lhs_hint = false} : vector<8192x128xf32>, vector<128x128xf32>, vector<8192x128xf32> -> vector<8192x128xf32>
    %sub3A = arith.subf %max3A_11, %dot_general3A_16 : vector<8192x128xf32>
    %mul3A = arith.mulf %sub3A, %sub3A : vector<8192x128xf32>
    %dot_general3A_17 = arith.constant dense<0.000000e+00> : vector<8192x128xf32>
    %dot_general3A_18 = tpu.matmul %mul3A, %get3A_14, %dot_general3A_17 {dimension_numbers = #tpu.dot_dimension_numbers<[1], [0], [0], [1], [0, 0, 1, 1], [], []>, transpose_lhs_hint = false} : vector<8192x128xf32>, vector<128x128xf32>, vector<8192x128xf32> -> vector<8192x128xf32>
    %add3A_19 = arith.constant 9.99999974E-6 : f32
    %add3A_20 = vector.broadcast %add3A_19 : f32 to vector<8192x128xf32>
    %add3A_21 = arith.addf %dot_general3A_18, %add3A_20 : vector<8192x128xf32>
    %rsqrt3A = math.rsqrt %add3A_21 : vector<8192x128xf32>
    %mul3A_22 = arith.mulf %sub3A, %rsqrt3A : vector<8192x128xf32>
    %get3A_23 = arith.constant 0 : index
    %get3A_24 = arith.constant 0 : index
    %get3A_25 = vector.load %arg5[%get3A_23, %get3A_24] : memref<64x64xf32, #tpu.memory_space<vmem>>, vector<64x64xf32>
    %get3A_26 = arith.constant 0 : index
    %get3A_27 = arith.constant 0 : index
    %get3A_28 = vector.load %arg6[%get3A_26, %get3A_27] : memref<64x1xf32, #tpu.memory_space<vmem>>, vector<64x1xf32>
    %slice3A = vector.extract_strided_slice %mul3A_22 {offsets = [0, 0], sizes = [8192, 64], strides = [1, 1]} : vector<8192x128xf32> to vector<8192x64xf32>
    %dot_general3A_29 = arith.constant dense<0.000000e+00> : vector<64x8192xf32>
    %dot_general3A_30 = tpu.matmul %get3A_25, %slice3A, %dot_general3A_29 {dimension_numbers = #tpu.dot_dimension_numbers<[1], [1], [0], [0], [0, 0, 1, 0], [], []>, transpose_lhs_hint = false} : vector<64x64xf32>, vector<8192x64xf32>, vector<64x8192xf32> -> vector<64x8192xf32>
    %add3A_31 = vector.broadcast %get3A_28 : vector<64x1xf32> to vector<64x8192xf32>
    %add3A_32 = arith.addf %dot_general3A_30, %add3A_31 : vector<64x8192xf32>
    %swap3A = arith.constant 0 : index
    %swap3A_33 = arith.constant 0 : index
    %swap3A_34 = arith.constant 0 : index
    %swap3A_35 = vector.load %arg7[%swap3A, %swap3A_33, %swap3A_34] : memref<2x64x8192xf32, #tpu.memory_space<vmem>>, vector<1x64x8192xf32>
    %swap3A_36 = vector.shape_cast %swap3A_35 : vector<1x64x8192xf32> to vector<64x8192xf32>
    %swap3A_37 = vector.shape_cast %add3A_32 : vector<64x8192xf32> to vector<1x64x8192xf32>
    tpu.vector_store %arg7[%swap3A, %swap3A_33, %swap3A_34], %swap3A_37 {strides = array<i32>} : memref<2x64x8192xf32, #tpu.memory_space<vmem>>, vector<1x64x8192xf32>,
    %slice3A_38 = vector.extract_strided_slice %mul3A_22 {offsets = [0, 64], sizes = [8192, 64], strides = [1, 1]} : vector<8192x128xf32> to vector<8192x64xf32>
    %dot_general3A_39 = arith.constant dense<0.000000e+00> : vector<64x8192xf32>
    %dot_general3A_40 = tpu.matmul %get3A_25, %slice3A_38, %dot_general3A_39 {dimension_numbers = #tpu.dot_dimension_numbers<[1], [1], [0], [0], [0, 0, 1, 0], [], []>, transpose_lhs_hint = false} : vector<64x64xf32>, vector<8192x64xf32>, vector<64x8192xf32> -> vector<64x8192xf32>
    %add3A_41 = vector.broadcast %get3A_28 : vector<64x1xf32> to vector<64x8192xf32>
    %add3A_42 = arith.addf %dot_general3A_40, %add3A_41 : vector<64x8192xf32>
    %swap3A_43 = arith.constant 1 : index
    %swap3A_44 = arith.constant 0 : index
    %swap3A_45 = arith.constant 0 : index
    %swap3A_46 = vector.load %arg7[%swap3A_43, %swap3A_44, %swap3A_45] : memref<2x64x8192xf32, #tpu.memory_space<vmem>>, vector<1x64x8192xf32>
    %swap3A_47 = vector.shape_cast %swap3A_46 : vector<1x64x8192xf32> to vector<64x8192xf32>
    %swap3A_48 = vector.shape_cast %add3A_42 : vector<64x8192xf32> to vector<1x64x8192xf32>
    tpu.vector_store %arg7[%swap3A_43, %swap3A_44, %swap3A_45], %swap3A_48 {strides = array<i32>} : memref<2x64x8192xf32, #tpu.memory_space<vmem>>, vector<1x64x8192xf32>,
    return
  }
  func.func @transform_0(%arg0: i32) -> (i32, i32) {
    %c0_i32 = arith.constant 0 : i32
    %c0_i32_0 = arith.constant 0 : i32
    return %arg0, %c0_i32 : i32, i32
  }
  func.func @transform_1(%arg0: i32) -> (i32, i32) {
    %c0_i32 = arith.constant 0 : i32
    %c0_i32_0 = arith.constant 0 : i32
    %c0_i32_1 = arith.constant 0 : i32
    return %c0_i32, %c0_i32_0 : i32, i32
  }
  func.func @transform_2(%arg0: i32) -> (i32, i32) {
    %c0_i32 = arith.constant 0 : i32
    %c0_i32_0 = arith.constant 0 : i32
    %c0_i32_1 = arith.constant 0 : i32
    return %c0_i32, %c0_i32_0 : i32, i32
  }
  func.func @transform_3(%arg0: i32) -> (i32, i32) {
    %c0_i32 = arith.constant 0 : i32
    %c0_i32_0 = arith.constant 0 : i32
    %c0_i32_1 = arith.constant 0 : i32
    return %c0_i32, %c0_i32_0 : i32, i32
  }
  func.func @transform_4(%arg0: i32) -> (i32, i32) {
    %c0_i32 = arith.constant 0 : i32
    %c0_i32_0 = arith.constant 0 : i32
    %c0_i32_1 = arith.constant 0 : i32
    return %c0_i32, %c0_i32_0 : i32, i32
  }
  func.func @transform_5(%arg0: i32) -> (i32, i32) {
    %c0_i32 = arith.constant 0 : i32
    %c0_i32_0 = arith.constant 0 : i32
    %c0_i32_1 = arith.constant 0 : i32
    return %c0_i32, %c0_i32_0 : i32, i32
  }
  func.func @transform_6(%arg0: i32) -> (i32, i32, i32) {
    %jit3A = arith.constant 2 : i32
    %div3A = arith.divsi %arg0, %jit3A : i32
    %sign3A = arith.constant 0 : i32
    %sign3A_0 = arith.cmpi sgt, %arg0, %sign3A : i32
    %sign3A_1 = arith.extui %sign3A_0 : i1 to i32
    %sign3A_2 = arith.constant 0 : i32
    %sign3A_3 = arith.cmpi slt, %arg0, %sign3A_2 : i32
    %sign3A_4 = arith.extui %sign3A_3 : i1 to i32
    %sign3A_5 = arith.subi %sign3A_1, %sign3A_4 : i32
    %sign3A_6 = arith.constant 0 : i32
    %sign3A_7 = arith.cmpi sgt, %jit3A, %sign3A_6 : i32
    %sign3A_8 = arith.extui %sign3A_7 : i1 to i32
    %sign3A_9 = arith.constant 0 : i32
    %sign3A_10 = arith.cmpi slt, %jit3A, %sign3A_9 : i32
    %sign3A_11 = arith.extui %sign3A_10 : i1 to i32
    %sign3A_12 = arith.subi %sign3A_8, %sign3A_11 : i32
    %ne3A = arith.cmpi ne, %sign3A_5, %sign3A_12 : i32
    %rem3A = arith.remsi %arg0, %jit3A : i32
    %ne3A_13 = arith.constant 0 : i32
    %ne3A_14 = arith.cmpi ne, %rem3A, %ne3A_13 : i32
    %and3A = arith.andi %ne3A, %ne3A_14 : i1
    %sub3A = arith.constant 1 : i32
    %sub3A_15 = arith.subi %div3A, %sub3A : i32
    %select_n3A = arith.select %and3A, %sub3A_15, %div3A : i32
    %jit3A_16 = arith.constant 2 : i32
    %eq3A = arith.constant 0 : i32
    %eq3A_17 = arith.cmpi eq, %jit3A_16, %eq3A : i32
    %jit3A_18 = arith.constant 1 : i32
    %select_n3A_19 = arith.select %eq3A_17, %jit3A_18, %jit3A_16 : i32
    %rem3A_20 = arith.remsi %arg0, %select_n3A_19 : i32
    %ne3A_21 = arith.constant 0 : i32
    %ne3A_22 = arith.cmpi ne, %rem3A_20, %ne3A_21 : i32
    %lt3A = arith.constant 0 : i32
    %lt3A_23 = arith.cmpi slt, %rem3A_20, %lt3A : i32
    %lt3A_24 = arith.constant 0 : i32
    %lt3A_25 = arith.cmpi slt, %select_n3A_19, %lt3A_24 : i32
    %ne3A_26 = arith.xori %lt3A_23, %lt3A_25 : i1
    %and3A_27 = arith.andi %ne3A_26, %ne3A_22 : i1
    %add3A = arith.addi %rem3A_20, %select_n3A_19 : i32
    %select_n3A_28 = arith.select %and3A_27, %add3A, %rem3A_20 : i32
    %c0_i32 = arith.constant 0 : i32
    %c0_i32_29 = arith.constant 0 : i32
    return %c0_i32, %select_n3A, %select_n3A_28 : i32, i32, i32
  }
}

</mosaic_0001>

<sc_bundles>
// kernel: kernel.4.cloned.1.call-start
scs
__scs_entry_jumppad:
0x0: {  	(pc) =	sbr.rel $0x88, $3  }
0x1: {  	(tag) =	ssettag $0x0;
	lr =	simm.s32 $0x1  }
0x2: {  	[smem:$0x3F99] =	sst lr;
	_ =	strace $0xD0000000  }
0x3: {  	_ = 	snop  }
0x4: {  	_ = 	snop  }
0x5: {  	_ = 	snop  }
0x6: {  	_ = 	snop  }
0x7: {  	_ = 	snop  }
__scs_overlays_trampoline_lowered:
0x8: {  	[smem:$0x3FA8] =	sst s0  }
0x9: {  	[smem:$0x3FA9] =	sst s1  }
0xa: {  	[smem:$0x3FAA] =	sst s2  }
0xb: {  	[smem:$0x3FAB] =	sst s3  }
0xc: {  	[smem:$0x3FAC] =	sst s4  }
0xd: {  	[smem:$0x3FAD] =	sst s5  }
0xe: {  	[smem:$0x3FAE] =	sst s6  }
0xf: {  	[smem:$0x3FAF] =	sst s7  }
0x10: {  	[smem:$0x3FB0] =	sst s8  }
0x11: {  	[smem:$0x3FB1] =	sst s9;
	s0 =	simm.s32 @!p0 $0x0  }
0x12: {  	s1 =	sld [smem:$0x3F97];
	s0 =	simm.s32 @p0 $0x1  }
0x13: {  	[smem:$0x3FB2] =	sst s0;
	s0 =	simm.s32 @!p1 $0x0  }
0x14: {  	s2 =	sld [smem:$0x3F96];
	s0 =	simm.s32 @p1 $0x1  }
0x15: {  	[smem:$0x3FB3] =	sst s0;
	s0 =	simm.s32 @!p2 $0x0  }
0x16: {  	s3 =	sld [smem:$0x3FDB];
	s0 =	simm.s32 @p2 $0x1  }
0x17: {  	s4 =	simm.s32 $0x1BF5;
	[smem:$0x3FB5] =	sst s0  }
0x18: {  	s0 =	sld [smem:$0x3F98];
	_ =	swait.ge [sflag:s4], $0x0  }
0x19: {  	s7 =	sld [smem:$0x3F99]  }
0x1a: {  	s8 =	sadd.s32 $0xFFFFE003, lr  }
0x1b: {  	s9 =	sadd.s32 $0xFFFFFEF7, lr;
	s5 =	simm.s32 $0xFFFFFFFF;
	p2 =	slt.u32 s8, $0xFFFFF086  }
0x1c: {  	p1 =	slt.u32 s9, $0xF7A;
	s5 =	simm.s32 @!p2 $0x0  }
0x1d: {  	s5 =	simm.s32 @p1 $0x1;
	p0 =	seq.s32 s7, s2  }
0x1e: {  	s7 =	smul.u32 @!p0 $0xF7A, s2;
	p2 =	seq.s32 @!p0 s5, $0x0  }
0x1f: {  	s9 =	smul.u32 $0xF7A, s1;
	s8 =	simm.s32 @!p0 $0x1BF5;
	p2 =	por !p2, p0  }
0x20: {  	[sflag:s8] =	ssyncset.s32 @!p0 $0xFFFFF086;
	s6 =	sadd.s32 @!p0 s3, s7;
	s7 =	simm.s32 @!p0 $0x108  }
0x21: {  	s3 =	sadd.s32 s3, s9;
	s6 =	sadd.s32 @!p0 $0x88, s6;
	s7 =	simm.s32 @p2 $0x1082  }
0x22: {  	[simem:s7], [sflag:s8] =	dma.local @!p0 [hbm:s6], $0xF7A  }
0x23: {  	s9 =	sor.u32 $0xD0000000, s2;
	s6 =	simm.s32 $0x108;
	_ =	swait.ge @!p0 [sflag:s8], $0x0  }
0x24: {  	s3 =	sadd.s32 $0x88, s3;
	s6 =	simm.s32 @!p1 $0x1082;
	[sflag:s4] =	ssyncset.s32 $0xFFFFF086  }
0x25: {  	[simem:s6], [sflag:s4] =	dma.local [hbm:s3], $0xF7A  }
0x26: {  	[smem:$0x3F99] =	sst s1;
	(tag) =	ssettag s2;
	_ =	strace s9  }
0x27: {  	s1 =	sld [smem:$0x3FA9]  }
0x28: {  	s2 =	sld [smem:$0x3FAA]  }
0x29: {  	s4 =	sld [smem:$0x3FAC]  }
0x2a: {  	p0 =	seq.s32 s5, $0x0;
	s5 =	sld [smem:$0x3FAD]  }
0x2b: {  	s6 =	sld [smem:$0x3FAE]  }
0x2c: {  	s7 =	sld [smem:$0x3FAF]  }
0x2d: {  	s3 =	simm.s32 $0x108;
	s8 =	sld [smem:$0x3FB0]  }
0x2e: {  	s3 =	simm.s32 @!p0 $0x1082;
	s9 =	sld [smem:$0x3FB1]  }
0x2f: {  	lr =	sadd.s32 s0, s3;
	s0 =	sld [smem:$0x3FA8]  }
0x30: {  	s3 =	sld [smem:$0x3FAB]  }
0x31: {  	[smem:$0x3FB4] =	sst s10  }
0x32: {  	s10 =	sld [smem:$0x3FB2];
	_ =	sdelay $0x3  }
0x33: {  	p0 =	seq.s32 s10, $0x1;
	s10 =	sld [smem:$0x3FB4];
	_ =	sdelay $0x3  }
0x34: {  	[smem:$0x3FB4] =	sst s10  }
0x35: {  	s10 =	sld [smem:$0x3FB3];
	_ =	sdelay $0x3  }
0x36: {  	p1 =	seq.s32 s10, $0x1;
	s10 =	sld [smem:$0x3FB4];
	_ =	sdelay $0x3  }
0x37: {  	[smem:$0x3FB4] =	sst s10  }
0x38: {  	s10 =	sld [smem:$0x3FB5]  }
0x39: {  	_ = 	snop;
	(pc) =	sbr.ind lr, $3  }
0x3a: {  	_ = 	snop  }
0x3b: {  	_ = 	snop  }
0x3c: {  	p2 =	seq.s32 s10, $0x1;
	s10 =	sld [smem:$0x3FB4]  }
0x3d: {  	_ =	shalt  }
0x3e: {  	_ =	shalt  }
0x3f: {  	_ =	shalt  }
0x40: {  	_ =	shalt  }
0x41: {  	_ =	shalt  }
0x42: {  	_ =	shalt  }
0x43: {  	_ =	shalt  }
0x44: {  	_ =	shalt  }
0x45: {  	_ =	shalt  }
0x46: {  	_ =	shalt  }
0x47: {  	_ =	shalt  }
0x48: {  	_ =	shalt  }
0x49: {  	_ =	shalt  }
0x4a: {  	_ =	shalt  }
0x4b: {  	_ =	shalt  }
0x4c: {  	_ =	shalt  }
0x4d: {  	_ =	shalt  }
0x4e: {  	_ =	shalt  }
0x4f: {  	_ =	shalt  }
0x50: {  	_ =	shalt  }
0x51: {  	_ =	shalt  }
0x52: {  	_ =	shalt  }
0x53: {  	_ =	shalt  }
0x54: {  	_ =	shalt  }
0x55: {  	_ =	shalt  }
0x56: {  	_ =	shalt  }
0x57: {  	_ =	shalt  }
0x58: {  	_ =	shalt  }
0x59: {  	_ =	shalt  }
0x5a: {  	_ =	shalt  }
0x5b: {  	_ =	shalt  }
0x5c: {  	_ =	shalt  }
0x5d: {  	_ =	shalt  }
0x5e: {  	_ =	shalt  }
0x5f: {  	_ =	shalt  }
0x60: {  	_ =	shalt  }
0x61: {  	_ =	shalt  }
0x62: {  	_ =	shalt  }
0x63: {  	_ =	shalt  }
0x64: {  	_ =	shalt  }
0x65: {  	_ =	shalt  }
0x66: {  	_ =	shalt  }
0x67: {  	_ =	shalt  }
0x68: {  	_ =	shalt  }
0x69: {  	_ =	shalt  }
0x6a: {  	_ =	shalt  }
0x6b: {  	_ =	shalt  }
0x6c: {  	_ =	shalt  }
0x6d: {  	_ =	shalt  }
0x6e: {  	_ =	shalt  }
0x6f: {  	_ =	shalt  }
0x70: {  	_ =	shalt  }
0x71: {  	_ =	shalt  }
0x72: {  	_ =	shalt  }
0x73: {  	_ =	shalt  }
0x74: {  	_ =	shalt  }
0x75: {  	_ =	shalt  }
0x76: {  	_ =	shalt  }
0x77: {  	_ =	shalt  }
0x78: {  	_ =	shalt  }
0x79: {  	_ =	shalt  }
0x7a: {  	_ =	shalt  }
0x7b: {  	_ =	shalt  }
0x7c: {  	_ =	shalt  }
0x7d: {  	_ =	shalt  }
0x7e: {  	_ =	shalt  }
0x7f: {  	_ =	shalt  }
0x80: {  	_ =	shalt  }
0x81: {  	_ =	shalt  }
0x82: {  	_ =	shalt  }
0x83: {  	_ =	shalt  }
0x84: {  	_ =	shalt  }
0x85: {  	_ =	shalt  }
0x86: {  	_ =	shalt  }
0x87: {  	_ =	shalt  }
.Lfunc_end0:
.L_simem_size_0:
called_computation_lowered:
.L_overlay_start_0:
0x88: {  	s2 =	sld [smem:$0x3FD9]  }
0x89: {  	s3 =	sld [smem:$0x3FFE];
	_ =	sdelay $0x1  }
0x8a: {  	s1 =	srdreg.scid  }
0x8b: {  	s0 =	sand.u32 $0x1, s1  }
0x8c: {  	s16 =	sshll.u32 s0, $0xA;
	s2 =	sadd.s32 s3, s2  }
0x8d: {  	s2 =	sadd.s32 s2, s16  }
0x8e: {  	[smem:$0x3FC0] =	sst s2  }
0x8f: {  	_ = 	snop  }
0x90: {  	(tm) =	ssettm $0x1  }
0x91: {  	s17 =	sld [smem:$0x3FFB];
	_ =	sdelay $0x3  }
0x92: {  	_ =	strace s17  }
0x93: {  	s2 =	sld [smem:$0x3FFC];
	_ =	sdelay $0x3  }
0x94: {  	_ =	strace s2  }
0x95: {  	s2 =	sld [smem:$0x3FFD];
	_ =	sdelay $0x3  }
0x96: {  	_ =	strace s2  }
0x97: {  	_ =	strace $0x8FFFFFFF  }
0x98: {  	s18 =	sld [smem:$0x3FDB];
	_ =	sdelay $0x1  }
0x99: {  	s19 =	simm.s32 $_scs_section_size  }
0x9a: {  	s4 =	simm.s32 $_size__tile_overlayer_lowered;
	s5 =	simm.s32 $_tile_overlayer_lowered  }
0x9b: {  	s22 =	simm.s32 $0x1BFF;
	s21 =	sshll.u32 s5, $0x1;
	s2 =	sadd.s32 s19, s18  }
0x9c: {  	s6 =	simm.s32 $0x0;
	s20 =	sshll.u32 s4, $0x1;
	s4 =	sadd.s32 s21, s2  }
0x9d: {  	[timem:s6], [sflag:s22] =	dma.local [hbm:s4], s20  }
0x9e: {  	_ =	swait.ge [sflag:s22], s20  }
0x9f: {  	s3 =	ssub.s32 $0x0, s20;
	[sflag:s22] =	ssyncset.done $0x0  }
0xa0: {  	[sflag:s22] =	ssyncadd.s32 s3;
	_ =	sdelay $0x1  }
0xa1: {  	s23 =	simm.s32 $0x1B8B  }
0xa2: {  	_ =	swait.ge [sflag:s23], $0x1  }
0xa3: {  	[sflag:s23] =	ssyncset.done $0x0  }
0xa4: {  	s25 =	simm.s32 $0x1B8E;
	s24 =	sld [smem:$0x3FFE];
	[sflag:s23] =	ssyncadd.s32 $0xFFFFFFFF  }
0xa5: {  	s26 =	simm.s32 $execute0_lowered;
	[smem:$0x3FD2] =	sst s25  }
0xa6: {  	s4 =	sshll.u32 s26, $0x1;
	_ =	strace $0x80000046;
	[dreg:$0x1] =	wrdreg $0xFFFFFFFF  }
0xa7: {  	s28 =	simm.s32 $_size_execute0_lowered;
	s2 =	sadd.s32 s2, s4;
	[dreg:$0x0] =	wrdreg $0x0  }
0xa8: {  	s4 =	sshll.u32 s28, $0x1;
	[dreg:$0x2] =	wrdreg s2  }
0xa9: {  	[dreg:$0x3] =	wrdreg s4  }
0xaa: {  	[dreg:$0x4] =	wrdreg $0xC0  }
0xab: {  	_ =	task [dreg:s6], $0x5FFFF  }
0xac: {  	[dreg:$0x1] =	wrdreg $0xFFFFFFFF  }
0xad: {  	[dreg:$0x0] =	wrdreg $0x60  }
0xae: {  	[dreg:$0x2] =	wrdreg s24  }
0xaf: {  	[dreg:$0x3] =	wrdreg $0x9  }
0xb0: {  	_ =	task.clear_ibuf [dreg:s6], $0x4FFFF;
	_ =	strace $0x90000046  }
0xb1: {  	s29 =	simm.s32 $0x9;
	_ =	strace $0x80000048  }
0xb2: {  	_ =	swait.ge [sflag:s29], $0x1  }
0xb3: {  	[sflag:s29] =	ssyncadd.s32 $0xFFFFFFFF  }
0xb4: {  	_ =	strace $0x90000048  }
0xb5: {  	_ =	sfence  }
0xb6: {  	s30 =	sld [smem:$0x0];
	_ =	sdelay $0x2  }
0xb7: {  	s31 =	sshll.u32 s1, $0xD;
	s1 =	sshrl.u32 s1, $0x2  }
0xb8: {  	s3 =	sand.u32 $0x4000, s31;
	s1 =	sadd.s32 s1, s30  }
0xb9: {  	s0 =	sor.u32 s3, s0;
	s1 =	sshll.u32 s1, $0x11  }
0xba: {  	s0 =	sor.u32 s1, s0  }
0xbb: {  	s0 =	sadd.s32 $0x8F2B, s0  }
0xbc: {  	[sflag:s0] =	ssyncadd.remote.s32 $0x1  }
0xbd: {  	_ =	sfence.sel $0xFFFF  }
0xbe: {  	[dreg:$0x0] =	wrdreg $0xFFFFFFFF;
	(pc) =	sbr.abs _section_cstart, $3  }
0xbf: {  	[dreg:$0x1] =	wrdreg $0xFFFFFFFF  }
0xc0: {  	_ =	task.clear_ibuf [dreg:s6], $0x2FFFF;
	_ =	strace $0x9FFFFFFF  }
0xc1: {  	(tm) =	ssettm $0x7FFFFFFF  }
tec
execute0_lowered:
.L_overlay_start_1:
0x0: {  	(tag) =	ssettag $0x1  }
0x1: {  	s1 =	srdreg.scid  }
0x2: {  	s0 =	stileid.u32;
	s3 =	rddreg [dreg:$0x0]  }
0x3: {  	s2 =	simm.s32 $0x0;
	s9 =	simm.s32 $0x400;
	s10 =	simm.s32 $0x2400  }
0x4: {  	s11 =	simm.s32 $0x100;
	s12 =	simm.s32 $0x4400;
	s13 =	simm.s32 $0x180  }
0x5: {  	s14 =	simm.s32 $0x6400;
	s15 =	simm.s32 $0x200;
	s16 =	simm.s32 $0x8400  }
0x6: {  	s17 =	simm.s32 $0x280;
	s18 =	simm.s32 $0xA400;
	s19 =	simm.s32 $0x300  }
0x7: {  	s20 =	simm.s32 $0xC400;
	s21 =	simm.s32 $0x380;
	s22 =	simm.s32 $0xE400  }
0x8: {  	s23 =	simm.s32 $0x1;
	s4 =	sand.u32 $0x1, s1;
	s5 =	smul.u32 $0xC800, s0  }
0x9: {  	s24 =	simm.s32 $0x0;
	[smem:$0x7FF] =	sst s2;
	s6 =	smul.u32 $0x6400, s4  }
0xa: {  	s1 =	rddreg [dreg:$0x1];
	s29 =	smul.u32 $0x64000, s0;
	_ =	strace $0x80000047  }
0xb: {  	s7 =	ssub.s32 $0x2, s4;
	s4 =	smul.u32 $0x32000, s4;
	s5 =	sadd.s32 s6, s5  }
0xc: {  	s30 =	sadd.s32 s29, s3;
	s31 =	sshrl.u32 s7, $0x1;
	s5 =	sshrl.u32 s5, $0x3  }
0xd: {  	s6 =	ssub.s32 s7, s31;
	s7 =	simm.s32 $0x2;
	s8 =	sadd.s32 s5, s3  }
0xe: {  	s3 =	sadd.s32 $0xF43800, s3;
	s5 =	sadd.s32 s4, s30;
	s4 =	smax.u32 s6, $0x1  }
0xf: {  	s5 =	sadd.s32 $0x1A400, s5;
	s6 =	sadd.s32 $0x1400, s8;
	s8 =	simm.s32 $0x80  }
.LBB2_1:
0x10: {  	s25 =	sadd.s32 $0x0, s6  }
0x11: {  	[tilespmem:s2], [sflag:$0x2] =	stream.linear.gather [hbm4b:s25+s2], $0x400, $0x38;
	[tilespmem:$0x10400] =	vst v63  }
0x12: {  	_ =	swait.ge [sflag:s7], $0x400  }
0x13: {  	[sflag:s7] =	ssyncset.done $0x0  }
0x14: {  	[sflag:s7] =	ssyncadd.s32 $0xFFFFFC00  }
0x15: {  	[tilespmem:s9], [sflag:$0x1] =	stream.indirect.gather [hbm4b:s3+s8], $0x40, s2, s8, $0xb8;
	[tilespmem:$0x10400] =	vst v63  }
0x16: {  	_ = 	snop  }
0x17: {  	[tilespmem:s10], [sflag:$0x1] =	stream.indirect.gather [hbm4b:s3+s8], $0x40, s8, s8, $0xb8;
	[tilespmem:$0x10400] =	vst v63  }
0x18: {  	_ = 	snop  }
0x19: {  	[tilespmem:s12], [sflag:$0x1] =	stream.indirect.gather [hbm4b:s3+s8], $0x40, s11, s8, $0xb8;
	[tilespmem:$0x10400] =	vst v63  }
0x1a: {  	_ = 	snop  }
0x1b: {  	[tilespmem:s14], [sflag:$0x1] =	stream.indirect.gather [hbm4b:s3+s8], $0x40, s13, s8, $0xb8;
	[tilespmem:$0x10400] =	vst v63  }
0x1c: {  	_ = 	snop  }
0x1d: {  	[tilespmem:s16], [sflag:$0x1] =	stream.indirect.gather [hbm4b:s3+s8], $0x40, s15, s8, $0xb8;
	[tilespmem:$0x10400] =	vst v63  }
0x1e: {  	_ = 	snop  }
0x1f: {  	[tilespmem:s18], [sflag:$0x1] =	stream.indirect.gather [hbm4b:s3+s8], $0x40, s17, s8, $0xb8;
	[tilespmem:$0x10400] =	vst v63  }
0x20: {  	_ = 	snop  }
0x21: {  	[tilespmem:s20], [sflag:$0x1] =	stream.indirect.gather [hbm4b:s3+s8], $0x40, s19, s8, $0xb8;
	[tilespmem:$0x10400] =	vst v63  }
0x22: {  	_ = 	snop  }
0x23: {  	[tilespmem:s22], [sflag:$0x1] =	stream.indirect.gather [hbm4b:s3+s8], $0x40, s21, s8, $0xb8;
	[tilespmem:$0x10400] =	vst v63  }
0x24: {  	_ =	swait.ge [sflag:s23], $0x2000  }
0x25: {  	[sflag:s23] =	ssyncset.done $0x0  }
0x26: {  	[sflag:s23] =	ssyncadd.s32 $0xFFFFE000  }
0x27: {  	_ =	swait.ge [sflag:s23], $0x2000  }
0x28: {  	[sflag:s23] =	ssyncset.done $0x0  }
0x29: {  	[sflag:s23] =	ssyncadd.s32 $0xFFFFE000  }
0x2a: {  	_ =	swait.ge [sflag:s23], $0x2000  }
0x2b: {  	[sflag:s23] =	ssyncset.done $0x0  }
0x2c: {  	[sflag:s23] =	ssyncadd.s32 $0xFFFFE000  }
0x2d: {  	_ =	swait.ge [sflag:s23], $0x2000  }
0x2e: {  	[sflag:s23] =	ssyncset.done $0x0  }
0x2f: {  	[sflag:s23] =	ssyncadd.s32 $0xFFFFE000  }
0x30: {  	_ =	swait.ge [sflag:s23], $0x2000  }
0x31: {  	[sflag:s23] =	ssyncset.done $0x0  }
0x32: {  	[sflag:s23] =	ssyncadd.s32 $0xFFFFE000  }
0x33: {  	_ =	swait.ge [sflag:s23], $0x2000  }
0x34: {  	[sflag:s23] =	ssyncset.done $0x0  }
0x35: {  	[sflag:s23] =	ssyncadd.s32 $0xFFFFE000  }
0x36: {  	_ =	swait.ge [sflag:s23], $0x2000  }
0x37: {  	[sflag:s23] =	ssyncset.done $0x0  }
0x38: {  	[sflag:s23] =	ssyncadd.s32 $0xFFFFE000  }
0x39: {  	_ =	swait.ge [sflag:s23], $0x2000  }
0x3a: {  	[sflag:s23] =	ssyncset.done $0x0  }
0x3b: {  	[sflag:s23] =	ssyncadd.s32 $0xFFFFE000  }
0x3c: {  	[hbm4b:s5+s2] =	stream.linear.scatter [tilespmem:s9], [sflag:$0x2], $0x10000, $0x38;
	[tilespmem:$0x10400] =	vst v63  }
0x3d: {  	s26 =	simm.s32 $0x80;
	_ =	swait.ge [sflag:s7], $0x10000  }
0x3e: {  	s29 =	simm.s32 $0x100;
	s25 =	sadd.s32 $0x2000, s5;
	[sflag:s7] =	ssyncset.done $0x0  }
.LBB2_2:
0x3f: {  	s30 =	sadd.s32 s26, s6  }
0x40: {  	[sflag:s7] =	ssyncadd.s32 $0xFFFF0000;
	s26 =	smov.u32 s29;
	s28 =	sadd.s32 $0x80, s29  }
0x41: {  	[tilespmem:s2], [sflag:$0x2] =	stream.linear.gather [hbm4b:s30+s2], $0x400, $0x38;
	[tilespmem:$0x10400] =	vst v63  }
0x42: {  	p0 =	sne.s32 s29, $0xC00;
	_ =	swait.ge [sflag:s7], $0x400  }
0x43: {  	[sflag:s7] =	ssyncset.done $0x0  }
0x44: {  	[sflag:s7] =	ssyncadd.s32 $0xFFFFFC00  }
0x45: {  	[tilespmem:s9], [sflag:$0x1] =	stream.indirect.gather [hbm4b:s3+s8], $0x40, s2, s8, $0xb8;
	[tilespmem:$0x10400] =	vst v63  }
0x46: {  	_ = 	snop  }
0x47: {  	[tilespmem:s10], [sflag:$0x1] =	stream.indirect.gather [hbm4b:s3+s8], $0x40, s8, s8, $0xb8;
	[tilespmem:$0x10400] =	vst v63  }
0x48: {  	_ = 	snop  }
0x49: {  	[tilespmem:s12], [sflag:$0x1] =	stream.indirect.gather [hbm4b:s3+s8], $0x40, s11, s8, $0xb8;
	[tilespmem:$0x10400] =	vst v63  }
0x4a: {  	_ = 	snop  }
0x4b: {  	[tilespmem:s14], [sflag:$0x1] =	stream.indirect.gather [hbm4b:s3+s8], $0x40, s13, s8, $0xb8;
	[tilespmem:$0x10400] =	vst v63  }
0x4c: {  	_ = 	snop  }
0x4d: {  	[tilespmem:s16], [sflag:$0x1] =	stream.indirect.gather [hbm4b:s3+s8], $0x40, s15, s8, $0xb8;
	[tilespmem:$0x10400] =	vst v63  }
0x4e: {  	_ = 	snop  }
0x4f: {  	[tilespmem:s18], [sflag:$0x1] =	stream.indirect.gather [hbm4b:s3+s8], $0x40, s17, s8, $0xb8;
	[tilespmem:$0x10400] =	vst v63  }
0x50: {  	_ = 	snop  }
0x51: {  	[tilespmem:s20], [sflag:$0x1] =	stream.indirect.gather [hbm4b:s3+s8], $0x40, s19, s8, $0xb8;
	[tilespmem:$0x10400] =	vst v63  }
0x52: {  	_ = 	snop  }
0x53: {  	[tilespmem:s22], [sflag:$0x1] =	stream.indirect.gather [hbm4b:s3+s8], $0x40, s21, s8, $0xb8;
	[tilespmem:$0x10400] =	vst v63  }
0x54: {  	_ =	swait.ge [sflag:s23], $0x2000  }
0x55: {  	[sflag:s23] =	ssyncset.done $0x0  }
0x56: {  	[sflag:s23] =	ssyncadd.s32 $0xFFFFE000  }
0x57: {  	_ =	swait.ge [sflag:s23], $0x2000  }
0x58: {  	[sflag:s23] =	ssyncset.done $0x0  }
0x59: {  	[sflag:s23] =	ssyncadd.s32 $0xFFFFE000  }
0x5a: {  	_ =	swait.ge [sflag:s23], $0x2000  }
0x5b: {  	[sflag:s23] =	ssyncset.done $0x0  }
0x5c: {  	[sflag:s23] =	ssyncadd.s32 $0xFFFFE000  }
0x5d: {  	_ =	swait.ge [sflag:s23], $0x2000  }
0x5e: {  	[sflag:s23] =	ssyncset.done $0x0  }
0x5f: {  	[sflag:s23] =	ssyncadd.s32 $0xFFFFE000  }
0x60: {  	_ =	swait.ge [sflag:s23], $0x2000  }
0x61: {  	[sflag:s23] =	ssyncset.done $0x0  }
0x62: {  	[sflag:s23] =	ssyncadd.s32 $0xFFFFE000  }
0x63: {  	_ =	swait.ge [sflag:s23], $0x2000  }
0x64: {  	[sflag:s23] =	ssyncset.done $0x0  }
0x65: {  	[sflag:s23] =	ssyncadd.s32 $0xFFFFE000  }
0x66: {  	_ =	swait.ge [sflag:s23], $0x2000  }
0x67: {  	[sflag:s23] =	ssyncset.done $0x0  }
0x68: {  	[sflag:s23] =	ssyncadd.s32 $0xFFFFE000  }
0x69: {  	_ =	swait.ge [sflag:s23], $0x2000  }
.Ltmp0:
0x6a: {  	[sflag:s23] =	ssyncset.done $0x0;
	(pc) =	sbr.rel @p0 .LBB2_2-.Ltmp0, $4  }
0x6b: {  	[sflag:s23] =	ssyncadd.s32 $0xFFFFE000  }
0x6c: {  	[hbm4b:s25+s2] =	stream.linear.scatter [tilespmem:s9], [sflag:$0x2], $0x10000, $0x38;
	[tilespmem:$0x10400] =	vst v63  }
0x6d: {  	_ =	swait.ge [sflag:s7], $0x10000  }
0x6e: {  	s29 =	smov.u32 s28;
	s25 =	sadd.s32 $0x2000, s25;
	[sflag:s7] =	ssyncset.done $0x0  }
0x6f: {  	s26 =	sadd.s32 s26, s6;
	[sflag:s7] =	ssyncadd.s32 $0xFFFF0000  }
0x70: {  	[tilespmem:s2], [sflag:$0x2] =	stream.linear.gather [hbm4b:s26+s2], $0x400, $0x38;
	[tilespmem:$0x10400] =	vst v63  }
0x71: {  	_ =	swait.ge [sflag:s7], $0x400  }
0x72: {  	[sflag:s7] =	ssyncset.done $0x0  }
0x73: {  	[sflag:s7] =	ssyncadd.s32 $0xFFFFFC00  }
0x74: {  	[tilespmem:s9], [sflag:$0x1] =	stream.indirect.gather [hbm4b:s3+s8], $0x40, s2, s8, $0xb8;
	[tilespmem:$0x10400] =	vst v63  }
0x75: {  	_ = 	snop  }
0x76: {  	[tilespmem:s10], [sflag:$0x1] =	stream.indirect.gather [hbm4b:s3+s8], $0x40, s8, s8, $0xb8;
	[tilespmem:$0x10400] =	vst v63  }
0x77: {  	_ = 	snop  }
0x78: {  	[tilespmem:s12], [sflag:$0x1] =	stream.indirect.gather [hbm4b:s3+s8], $0x40, s11, s8, $0xb8;
	[tilespmem:$0x10400] =	vst v63  }
0x79: {  	_ = 	snop  }
0x7a: {  	[tilespmem:s14], [sflag:$0x1] =	stream.indirect.gather [hbm4b:s3+s8], $0x40, s13, s8, $0xb8;
	[tilespmem:$0x10400] =	vst v63  }
0x7b: {  	_ = 	snop  }
0x7c: {  	[tilespmem:s16], [sflag:$0x1] =	stream.indirect.gather [hbm4b:s3+s8], $0x40, s15, s8, $0xb8;
	[tilespmem:$0x10400] =	vst v63  }
0x7d: {  	_ = 	snop  }
0x7e: {  	[tilespmem:s18], [sflag:$0x1] =	stream.indirect.gather [hbm4b:s3+s8], $0x40, s17, s8, $0xb8;
	[tilespmem:$0x10400] =	vst v63  }
0x7f: {  	_ = 	snop  }
0x80: {  	[tilespmem:s20], [sflag:$0x1] =	stream.indirect.gather [hbm4b:s3+s8], $0x40, s19, s8, $0xb8;
	[tilespmem:$0x10400] =	vst v63  }
0x81: {  	_ = 	snop  }
0x82: {  	[tilespmem:s22], [sflag:$0x1] =	stream.indirect.gather [hbm4b:s3+s8], $0x40, s21, s8, $0xb8;
	[tilespmem:$0x10400] =	vst v63  }
0x83: {  	_ =	swait.ge [sflag:s23], $0x2000  }
0x84: {  	[sflag:s23] =	ssyncset.done $0x0  }
0x85: {  	[sflag:s23] =	ssyncadd.s32 $0xFFFFE000  }
0x86: {  	_ =	swait.ge [sflag:s23], $0x2000  }
0x87: {  	[sflag:s23] =	ssyncset.done $0x0  }
0x88: {  	[sflag:s23] =	ssyncadd.s32 $0xFFFFE000  }
0x89: {  	_ =	swait.ge [sflag:s23], $0x2000  }
0x8a: {  	[sflag:s23] =	ssyncset.done $0x0  }
0x8b: {  	[sflag:s23] =	ssyncadd.s32 $0xFFFFE000  }
0x8c: {  	_ =	swait.ge [sflag:s23], $0x2000  }
0x8d: {  	[sflag:s23] =	ssyncset.done $0x0  }
0x8e: {  	[sflag:s23] =	ssyncadd.s32 $0xFFFFE000  }
0x8f: {  	_ =	swait.ge [sflag:s23], $0x2000  }
0x90: {  	[sflag:s23] =	ssyncset.done $0x0  }
0x91: {  	[sflag:s23] =	ssyncadd.s32 $0xFFFFE000  }
0x92: {  	_ =	swait.ge [sflag:s23], $0x2000  }
0x93: {  	[sflag:s23] =	ssyncset.done $0x0  }
0x94: {  	[sflag:s23] =	ssyncadd.s32 $0xFFFFE000  }
0x95: {  	_ =	swait.ge [sflag:s23], $0x2000  }
0x96: {  	[sflag:s23] =	ssyncset.done $0x0  }
0x97: {  	[sflag:s23] =	ssyncadd.s32 $0xFFFFE000  }
0x98: {  	s24 =	sadd.s32 $0x1, s24;
	_ =	swait.ge [sflag:s23], $0x2000  }
0x99: {  	p0 =	sne.s32 s24, s4;
	[sflag:s23] =	ssyncset.done $0x0  }
.Ltmp1:
0x9a: {  	[sflag:s23] =	ssyncadd.s32 $0xFFFFE000;
	(pc) =	sbr.rel @p0 .LBB2_1-.Ltmp1, $4  }
0x9b: {  	[hbm4b:s25+s2] =	stream.linear.scatter [tilespmem:s9], [sflag:$0x2], $0x10000, $0x38;
	[tilespmem:$0x10400] =	vst v63  }
0x9c: {  	_ =	swait.ge [sflag:s7], $0x10000  }
0x9d: {  	[sflag:s7] =	ssyncset.done $0x0  }
0x9e: {  	[sflag:s7] =	ssyncadd.s32 $0xFFFF0000  }
0x9f: {  	_ =	sfence.sel $0x180000  }
0xa0: {  	[bflag:$0x0] =	sbarrier.arrive $0xFFFF  }
0xa1: {  	p0 =	sne.s32 s0, $0x0;
	_ =	strace $0x90000047  }
0xa2: {  	s0 =	sadd.s32 @!p0 $0x100000, s1;
	[bflag:$0x2] =	sbarrier.arrive $0xFFFF  }
0xa3: {  	[sflag:s0] =	ssyncadd.tile.s32 @!p0 $0x1;
	_ =	shalt  }
.Lfunc_end2:
_tile_overlayer_lowered:
.L_overlay_start_2:
0xa4: {  	(tag) =	ssettag $0x2  }
0xa5: {  	s0 =	rddreg [dreg:$0x0];
	s2 =	stileid.u32  }
0xa6: {  	s1 =	rddreg [dreg:$0x1];
	p0 =	sne.s32 s2, $0x0  }
0xa7: {  	s3 =	rddreg [dreg:$0x2];
	[bflag:$0x3] =	sbarrier.arrive $0xFFFF;
	s2 =	simm.s32 @!p0 $0x1C02  }
0xa8: {  	[timem:s3], [sflag:s2] =	dma.local @!p0 [hbm:s0], s1  }
0xa9: {  	s0 =	simm.s32 @!p0 $0x2  }
0xaa: {  	_ =	swait.ge @!p0 [sflag:s0], s1  }
0xab: {  	s1 =	ssub.s32 @!p0 $0x0, s1;
	[sflag:s0] =	ssyncset.done @!p0 $0x0  }
0xac: {  	[sflag:s0] =	ssyncadd.s32 @!p0 s1  }
0xad: {  	[bflag:$0x3] =	sbarrier.arrive $0xFFFF  }
0xae: {  	_ =	shalt  }

</sc_bundles>
